<compile_context>
chip_gen: v7x
topology: tpu7x:2x2x1
jax: 0.10.2.dev20260603
libtpu: 0.0.44.dev20260713+nightly
codegen_flags: <defaults>
</compile_context>

<pallas_src>
import functools

import jax
import jax.numpy as jnp
from jax import lax
from jax.experimental import pallas as pl
from jax.experimental.pallas import tpu as pltpu
from jax.experimental.pallas import tpu_sc as plsc

N_ROWS = 16384
N_COLS = 1024
N_SITES = 4096

_BR = 512
_NBLK = N_ROWS // _BR

_NC, _NS, _L = 2, 16, 16
_NW = _NC * _NS
_K = N_SITES // _NW


def _minmax_body(x_ref, mnmx_ref):
    i = pl.program_id(0)
    b2 = x_ref[...]
    bmin = jnp.min(b2)
    bmax = jnp.max(b2)

    @pl.when(i == 0)
    def _init():
        mnmx_ref[0:1, :] = jnp.full((1, 128), bmin, jnp.float32)
        mnmx_ref[1:2, :] = jnp.full((1, 128), bmax, jnp.float32)

    @pl.when(i > 0)
    def _acc():
        mnmx_ref[0:1, :] = jnp.minimum(mnmx_ref[0:1, :], bmin)
        mnmx_ref[1:2, :] = jnp.maximum(mnmx_ref[1:2, :], bmax)


_minmax = pl.pallas_call(
    _minmax_body,
    grid=(_NBLK,),
    in_specs=[pl.BlockSpec((_BR, N_COLS), lambda i: (i, 0))],
    out_specs=pl.BlockSpec((2, 128), lambda i: (0, 0)),
    out_shape=jax.ShapeDtypeStruct((2, 128), jnp.float32),
)


def _sc_scatter_body(out_ref, idx_hbm, val_hbm, mnmx_hbm,
                     idx_v, val_v, inj_v, mn_row, mx_row, sem):
    wid = lax.axis_index("s") * _NC + lax.axis_index("c")
    base = wid * _K
    pltpu.sync_copy(idx_hbm.at[pl.ds(base, _K)], idx_v)
    pltpu.sync_copy(val_hbm.at[pl.ds(base, _K)], val_v)
    pltpu.sync_copy(mnmx_hbm.at[0], mn_row)
    pltpu.sync_copy(mnmx_hbm.at[1], mx_row)
    mn = mn_row[pl.ds(0, _L)]
    scale = mx_row[pl.ds(0, _L)] - mn
    for j in range(_K // _L):
        s = pl.ds(j * _L, _L)
        inj_v[s] = mn + val_v[s] * scale
    pltpu.async_copy(inj_v, out_ref.at[idx_v], sem).wait()


@functools.cache
def _get_sc_scatter():
    return pl.kernel(
        _sc_scatter_body,
        out_type=(),
        mesh=plsc.VectorSubcoreMesh(core_axis_name="c", subcore_axis_name="s"),
        scratch_types=[
            pltpu.VMEM((_K,), jnp.int32),
            pltpu.VMEM((_K,), jnp.float32),
            pltpu.VMEM((_K,), jnp.float32),
            pltpu.VMEM((128,), jnp.float32),
            pltpu.VMEM((128,), jnp.float32),
            pltpu.SemaphoreType.DMA,
        ],
    )


def kernel(x, idx, val):
    idx32 = idx.astype(jnp.int32)
    flat = x.reshape(-1)
    ref = jax.new_ref(flat)
    mnmx = _minmax(x)
    _get_sc_scatter()(ref, idx32, val, mnmx)
    return jax.freeze(ref).reshape(N_ROWS, N_COLS)

# --- scband reference (transcript-rebuilt; emitter-appended) ---
"""Pipeline reference for scband-simulator-36421322670221 (READ-ONLY COPY).

The authoritative reference and input builder live on the scoring server;
editing this copy changes nothing except your own understanding.
"""

import jax, jax.numpy as jnp
import numpy as np

N_ROWS = 16384
N_COLS = 1024
N_SITES = 4096


def setup_inputs(seed: int = 0) -> dict:
    key = jax.random.key(seed)
    k1, k2, k3 = jax.random.split(key, 3)
    x = jax.random.normal(k1, (N_ROWS, N_COLS), dtype=jnp.float32)
    idx = jax.random.randint(k2, (N_SITES,), 0, N_ROWS * N_COLS, dtype=jnp.int64)
    val = jax.random.uniform(k3, (N_SITES,), dtype=jnp.float32)
    return {"x": x, "idx": idx, "val": val}


def reference(x, idx, val):
    # Faithful translation of Simulator.forward:
    #   range_min = min(x); range_max = max(x)
    #   for each injection site: x[idx] = value.get_value(range_min, range_max)
    # where get_value maps a raw fault value into [range_min, range_max].
    range_min = jnp.min(x)
    range_max = jnp.max(x)
    injected_values = range_min + val * (range_max - range_min)
    flat = x.reshape(-1)
    flat = flat.at[idx].set(injected_values)
    return flat.reshape(x.shape)

if __name__ == "__main__":
    import jax
    _d = setup_inputs()
    print(jax.jit(kernel)(*tuple(_d.values())))

</pallas_src>

<mosaic_0001>
#map = affine_map<(d0, d1) -> (0)>
#map1 = affine_map<(d0, d1) -> (0, 0)>
module attributes {stable_mosaic.version = 14 : i64} {
  func.func @new_body(%arg0: i32, %arg1: i32, %arg2: memref<16777216xf32, #tpu.memory_space<hbm>>, %arg3: memref<4096xi32, #tpu.memory_space<hbm>>, %arg4: memref<4096xf32, #tpu.memory_space<hbm>>, %arg5: memref<2x128xf32, #tpu.memory_space<hbm>>, %arg6: memref<16777216xf32, #tpu.memory_space<hbm>>, %arg7: memref<128xi32, #tpu.memory_space<vmem>>, %arg8: memref<128xf32, #tpu.memory_space<vmem>>, %arg9: memref<128xf32, #tpu.memory_space<vmem>>, %arg10: memref<128xf32, #tpu.memory_space<vmem>>, %arg11: memref<128xf32, #tpu.memory_space<vmem>>, %arg12: memref<!tpu.dma_semaphore, #tpu.memory_space<semaphore_mem>>) attributes {dimension_semantics = [#tpu.dimension_semantics<core_parallel>, #tpu.dimension_semantics<subcore_parallel>], iteration_bounds = array<i64: 2, 16>, scalar_prefetch = 0 : i64, scratch_operands = 6 : i64, tpu.core_type = #tpu.core_type<sc_vector_subcore>, window_params = [{transform_indices = #map}, {transform_indices = #map}, {transform_indices = #map}, {transform_indices = #map1}, {transform_indices = #map}]} {
    %mul3A = arith.constant 2 : i32
    %mul3A_0 = arith.muli %arg1, %mul3A : i32
    %add3A = arith.addi %mul3A_0, %arg0 : i32
    %mul3A_1 = arith.constant 128 : i32
    %mul3A_2 = arith.muli %add3A, %mul3A_1 : i32
    "tpu.region"() ({
      %run_scoped3A_82 = tpu.sem_alloc : memref<!tpu.dma_semaphore, #tpu.memory_space<semaphore_mem>>
      %dma_start3A_83 = tpu.memref_slice %arg3[%mul3A_2] : memref<4096xi32, #tpu.memory_space<hbm>> -> memref<128xi32, #tpu.memory_space<hbm>>
      %dma_start3A_84 = tpu.memref_slice %arg3[%mul3A_2] : memref<4096xi32, #tpu.memory_space<hbm>> -> memref<128xi32, #tpu.memory_space<hbm>>
      tpu.enqueue_dma source(%dma_start3A_84 : memref<128xi32, #tpu.memory_space<hbm>>) target(%arg7 : memref<128xi32, #tpu.memory_space<vmem>>) target_semaphore(%run_scoped3A_82 : memref<!tpu.dma_semaphore, #tpu.memory_space<semaphore_mem>>)
      %dma_wait3A_85 = tpu.memref_slice %arg3[%mul3A_2] : memref<4096xi32, #tpu.memory_space<hbm>> -> memref<128xi32, #tpu.memory_space<hbm>>
      %dma_wait3A_86 = tpu.memref_slice %arg3[%mul3A_2] : memref<4096xi32, #tpu.memory_space<hbm>> -> memref<128xi32, #tpu.memory_space<hbm>>
      tpu.wait_dma2 semaphore(%run_scoped3A_82 : memref<!tpu.dma_semaphore, #tpu.memory_space<semaphore_mem>>) src(%dma_wait3A_86 : memref<128xi32, #tpu.memory_space<hbm>>) dst(%arg7 : memref<128xi32, #tpu.memory_space<vmem>>)
      tpu.yield
    }) : () -> ()
    "tpu.region"() ({
      %run_scoped3A_82 = tpu.sem_alloc : memref<!tpu.dma_semaphore, #tpu.memory_space<semaphore_mem>>
      %dma_start3A_83 = tpu.memref_slice %arg4[%mul3A_2] : memref<4096xf32, #tpu.memory_space<hbm>> -> memref<128xf32, #tpu.memory_space<hbm>>
      %dma_start3A_84 = tpu.memref_slice %arg4[%mul3A_2] : memref<4096xf32, #tpu.memory_space<hbm>> -> memref<128xf32, #tpu.memory_space<hbm>>
      tpu.enqueue_dma source(%dma_start3A_84 : memref<128xf32, #tpu.memory_space<hbm>>) target(%arg8 : memref<128xf32, #tpu.memory_space<vmem>>) target_semaphore(%run_scoped3A_82 : memref<!tpu.dma_semaphore, #tpu.memory_space<semaphore_mem>>)
      %dma_wait3A_85 = tpu.memref_slice %arg4[%mul3A_2] : memref<4096xf32, #tpu.memory_space<hbm>> -> memref<128xf32, #tpu.memory_space<hbm>>
      %dma_wait3A_86 = tpu.memref_slice %arg4[%mul3A_2] : memref<4096xf32, #tpu.memory_space<hbm>> -> memref<128xf32, #tpu.memory_space<hbm>>
      tpu.wait_dma2 semaphore(%run_scoped3A_82 : memref<!tpu.dma_semaphore, #tpu.memory_space<semaphore_mem>>) src(%dma_wait3A_86 : memref<128xf32, #tpu.memory_space<hbm>>) dst(%arg8 : memref<128xf32, #tpu.memory_space<vmem>>)
      tpu.yield
    }) : () -> ()
    %run_scoped3A = arith.constant 0 : i32
    "tpu.region"() ({
      %run_scoped3A_82 = tpu.sem_alloc : memref<!tpu.dma_semaphore, #tpu.memory_space<semaphore_mem>>
      %dma_start3A_83 = arith.constant 0 : i32
      %dma_start3A_84 = tpu.memref_slice %arg5[%run_scoped3A, %dma_start3A_83] : memref<2x128xf32, #tpu.memory_space<hbm>> -> memref<1x128xf32, #tpu.memory_space<hbm>>
      %dma_start3A_85 = tpu.memref_squeeze %dma_start3A_84 : memref<1x128xf32, #tpu.memory_space<hbm>> -> memref<128xf32, #tpu.memory_space<hbm>>
      %dma_start3A_86 = arith.constant 0 : i32
      %dma_start3A_87 = tpu.memref_slice %arg5[%run_scoped3A, %dma_start3A_86] : memref<2x128xf32, #tpu.memory_space<hbm>> -> memref<1x128xf32, #tpu.memory_space<hbm>>
      %dma_start3A_88 = tpu.memref_squeeze %dma_start3A_87 : memref<1x128xf32, #tpu.memory_space<hbm>> -> memref<128xf32, #tpu.memory_space<hbm>>
      tpu.enqueue_dma source(%dma_start3A_88 : memref<128xf32, #tpu.memory_space<hbm>>) target(%arg10 : memref<128xf32, #tpu.memory_space<vmem>>) target_semaphore(%run_scoped3A_82 : memref<!tpu.dma_semaphore, #tpu.memory_space<semaphore_mem>>)
      %dma_wait3A_89 = arith.constant 0 : i32
      %dma_wait3A_90 = tpu.memref_slice %arg5[%run_scoped3A, %dma_wait3A_89] : memref<2x128xf32, #tpu.memory_space<hbm>> -> memref<1x128xf32, #tpu.memory_space<hbm>>
      %dma_wait3A_91 = tpu.memref_squeeze %dma_wait3A_90 : memref<1x128xf32, #tpu.memory_space<hbm>> -> memref<128xf32, #tpu.memory_space<hbm>>
      %dma_wait3A_92 = arith.constant 0 : i32
      %dma_wait3A_93 = tpu.memref_slice %arg5[%run_scoped3A, %dma_wait3A_92] : memref<2x128xf32, #tpu.memory_space<hbm>> -> memref<1x128xf32, #tpu.memory_space<hbm>>
      %dma_wait3A_94 = tpu.memref_squeeze %dma_wait3A_93 : memref<1x128xf32, #tpu.memory_space<hbm>> -> memref<128xf32, #tpu.memory_space<hbm>>
      tpu.wait_dma2 semaphore(%run_scoped3A_82 : memref<!tpu.dma_semaphore, #tpu.memory_space<semaphore_mem>>) src(%dma_wait3A_94 : memref<128xf32, #tpu.memory_space<hbm>>) dst(%arg10 : memref<128xf32, #tpu.memory_space<vmem>>)
      tpu.yield
    }) : () -> ()
    %run_scoped3A_3 = arith.constant 1 : i32
    "tpu.region"() ({
      %run_scoped3A_82 = tpu.sem_alloc : memref<!tpu.dma_semaphore, #tpu.memory_space<semaphore_mem>>
      %dma_start3A_83 = arith.constant 0 : i32
      %dma_start3A_84 = tpu.memref_slice %arg5[%run_scoped3A_3, %dma_start3A_83] : memref<2x128xf32, #tpu.memory_space<hbm>> -> memref<1x128xf32, #tpu.memory_space<hbm>>
      %dma_start3A_85 = tpu.memref_squeeze %dma_start3A_84 : memref<1x128xf32, #tpu.memory_space<hbm>> -> memref<128xf32, #tpu.memory_space<hbm>>
      %dma_start3A_86 = arith.constant 0 : i32
      %dma_start3A_87 = tpu.memref_slice %arg5[%run_scoped3A_3, %dma_start3A_86] : memref<2x128xf32, #tpu.memory_space<hbm>> -> memref<1x128xf32, #tpu.memory_space<hbm>>
      %dma_start3A_88 = tpu.memref_squeeze %dma_start3A_87 : memref<1x128xf32, #tpu.memory_space<hbm>> -> memref<128xf32, #tpu.memory_space<hbm>>
      tpu.enqueue_dma source(%dma_start3A_88 : memref<128xf32, #tpu.memory_space<hbm>>) target(%arg11 : memref<128xf32, #tpu.memory_space<vmem>>) target_semaphore(%run_scoped3A_82 : memref<!tpu.dma_semaphore, #tpu.memory_space<semaphore_mem>>)
      %dma_wait3A_89 = arith.constant 0 : i32
      %dma_wait3A_90 = tpu.memref_slice %arg5[%run_scoped3A_3, %dma_wait3A_89] : memref<2x128xf32, #tpu.memory_space<hbm>> -> memref<1x128xf32, #tpu.memory_space<hbm>>
      %dma_wait3A_91 = tpu.memref_squeeze %dma_wait3A_90 : memref<1x128xf32, #tpu.memory_space<hbm>> -> memref<128xf32, #tpu.memory_space<hbm>>
      %dma_wait3A_92 = arith.constant 0 : i32
      %dma_wait3A_93 = tpu.memref_slice %arg5[%run_scoped3A_3, %dma_wait3A_92] : memref<2x128xf32, #tpu.memory_space<hbm>> -> memref<1x128xf32, #tpu.memory_space<hbm>>
      %dma_wait3A_94 = tpu.memref_squeeze %dma_wait3A_93 : memref<1x128xf32, #tpu.memory_space<hbm>> -> memref<128xf32, #tpu.memory_space<hbm>>
      tpu.wait_dma2 semaphore(%run_scoped3A_82 : memref<!tpu.dma_semaphore, #tpu.memory_space<semaphore_mem>>) src(%dma_wait3A_94 : memref<128xf32, #tpu.memory_space<hbm>>) dst(%arg11 : memref<128xf32, #tpu.memory_space<vmem>>)
      tpu.yield
    }) : () -> ()
    %get3A = arith.constant 0 : index
    %get3A_4 = tpu.vector_load %arg10[%get3A] {strides = array<i32>} : memref<128xf32, #tpu.memory_space<vmem>>, vector<16xf32>,
    %get3A_5 = vector.shape_cast %get3A_4 : vector<16xf32> to vector<16xf32>
    %get3A_6 = arith.constant 0 : index
    %get3A_7 = tpu.vector_load %arg11[%get3A_6] {strides = array<i32>} : memref<128xf32, #tpu.memory_space<vmem>>, vector<16xf32>,
    %get3A_8 = vector.shape_cast %get3A_7 : vector<16xf32> to vector<16xf32>
    %sub3A = arith.subf %get3A_8, %get3A_5 : vector<16xf32>
    %get3A_9 = arith.constant 0 : index
    %get3A_10 = tpu.vector_load %arg8[%get3A_9] {strides = array<i32>} : memref<128xf32, #tpu.memory_space<vmem>>, vector<16xf32>,
    %get3A_11 = vector.shape_cast %get3A_10 : vector<16xf32> to vector<16xf32>
    %mul3A_12 = arith.mulf %get3A_11, %sub3A : vector<16xf32>
    %add3A_13 = arith.addf %get3A_5, %mul3A_12 : vector<16xf32>
    %swap3A = arith.constant 0 : index
    %swap3A_14 = tpu.vector_load %arg9[%swap3A] {strides = array<i32>} : memref<128xf32, #tpu.memory_space<vmem>>, vector<16xf32>,
    %swap3A_15 = vector.shape_cast %swap3A_14 : vector<16xf32> to vector<16xf32>
    %swap3A_16 = vector.shape_cast %add3A_13 : vector<16xf32> to vector<16xf32>
    tpu.vector_store %arg9[%swap3A], %swap3A_16 {strides = array<i32>} : memref<128xf32, #tpu.memory_space<vmem>>, vector<16xf32>,
    %get3A_17 = arith.constant 16 : index
    %get3A_18 = tpu.vector_load %arg8[%get3A_17] {strides = array<i32>} : memref<128xf32, #tpu.memory_space<vmem>>, vector<16xf32>,
    %get3A_19 = vector.shape_cast %get3A_18 : vector<16xf32> to vector<16xf32>
    %mul3A_20 = arith.mulf %get3A_19, %sub3A : vector<16xf32>
    %add3A_21 = arith.addf %get3A_5, %mul3A_20 : vector<16xf32>
    %swap3A_22 = arith.constant 16 : index
    %swap3A_23 = tpu.vector_load %arg9[%swap3A_22] {strides = array<i32>} : memref<128xf32, #tpu.memory_space<vmem>>, vector<16xf32>,
    %swap3A_24 = vector.shape_cast %swap3A_23 : vector<16xf32> to vector<16xf32>
    %swap3A_25 = vector.shape_cast %add3A_21 : vector<16xf32> to vector<16xf32>
    tpu.vector_store %arg9[%swap3A_22], %swap3A_25 {strides = array<i32>} : memref<128xf32, #tpu.memory_space<vmem>>, vector<16xf32>,
    %get3A_26 = arith.constant 32 : index
    %get3A_27 = tpu.vector_load %arg8[%get3A_26] {strides = array<i32>} : memref<128xf32, #tpu.memory_space<vmem>>, vector<16xf32>,
    %get3A_28 = vector.shape_cast %get3A_27 : vector<16xf32> to vector<16xf32>
    %mul3A_29 = arith.mulf %get3A_28, %sub3A : vector<16xf32>
    %add3A_30 = arith.addf %get3A_5, %mul3A_29 : vector<16xf32>
    %swap3A_31 = arith.constant 32 : index
    %swap3A_32 = tpu.vector_load %arg9[%swap3A_31] {strides = array<i32>} : memref<128xf32, #tpu.memory_space<vmem>>, vector<16xf32>,
    %swap3A_33 = vector.shape_cast %swap3A_32 : vector<16xf32> to vector<16xf32>
    %swap3A_34 = vector.shape_cast %add3A_30 : vector<16xf32> to vector<16xf32>
    tpu.vector_store %arg9[%swap3A_31], %swap3A_34 {strides = array<i32>} : memref<128xf32, #tpu.memory_space<vmem>>, vector<16xf32>,
    %get3A_35 = arith.constant 48 : index
    %get3A_36 = tpu.vector_load %arg8[%get3A_35] {strides = array<i32>} : memref<128xf32, #tpu.memory_space<vmem>>, vector<16xf32>,
    %get3A_37 = vector.shape_cast %get3A_36 : vector<16xf32> to vector<16xf32>
    %mul3A_38 = arith.mulf %get3A_37, %sub3A : vector<16xf32>
    %add3A_39 = arith.addf %get3A_5, %mul3A_38 : vector<16xf32>
    %swap3A_40 = arith.constant 48 : index
    %swap3A_41 = tpu.vector_load %arg9[%swap3A_40] {strides = array<i32>} : memref<128xf32, #tpu.memory_space<vmem>>, vector<16xf32>,
    %swap3A_42 = vector.shape_cast %swap3A_41 : vector<16xf32> to vector<16xf32>
    %swap3A_43 = vector.shape_cast %add3A_39 : vector<16xf32> to vector<16xf32>
    tpu.vector_store %arg9[%swap3A_40], %swap3A_43 {strides = array<i32>} : memref<128xf32, #tpu.memory_space<vmem>>, vector<16xf32>,
    %get3A_44 = arith.constant 64 : index
    %get3A_45 = tpu.vector_load %arg8[%get3A_44] {strides = array<i32>} : memref<128xf32, #tpu.memory_space<vmem>>, vector<16xf32>,
    %get3A_46 = vector.shape_cast %get3A_45 : vector<16xf32> to vector<16xf32>
    %mul3A_47 = arith.mulf %get3A_46, %sub3A : vector<16xf32>
    %add3A_48 = arith.addf %get3A_5, %mul3A_47 : vector<16xf32>
    %swap3A_49 = arith.constant 64 : index
    %swap3A_50 = tpu.vector_load %arg9[%swap3A_49] {strides = array<i32>} : memref<128xf32, #tpu.memory_space<vmem>>, vector<16xf32>,
    %swap3A_51 = vector.shape_cast %swap3A_50 : vector<16xf32> to vector<16xf32>
    %swap3A_52 = vector.shape_cast %add3A_48 : vector<16xf32> to vector<16xf32>
    tpu.vector_store %arg9[%swap3A_49], %swap3A_52 {strides = array<i32>} : memref<128xf32, #tpu.memory_space<vmem>>, vector<16xf32>,
    %get3A_53 = arith.constant 80 : index
    %get3A_54 = tpu.vector_load %arg8[%get3A_53] {strides = array<i32>} : memref<128xf32, #tpu.memory_space<vmem>>, vector<16xf32>,
    %get3A_55 = vector.shape_cast %get3A_54 : vector<16xf32> to vector<16xf32>
    %mul3A_56 = arith.mulf %get3A_55, %sub3A : vector<16xf32>
    %add3A_57 = arith.addf %get3A_5, %mul3A_56 : vector<16xf32>
    %swap3A_58 = arith.constant 80 : index
    %swap3A_59 = tpu.vector_load %arg9[%swap3A_58] {strides = array<i32>} : memref<128xf32, #tpu.memory_space<vmem>>, vector<16xf32>,
    %swap3A_60 = vector.shape_cast %swap3A_59 : vector<16xf32> to vector<16xf32>
    %swap3A_61 = vector.shape_cast %add3A_57 : vector<16xf32> to vector<16xf32>
    tpu.vector_store %arg9[%swap3A_58], %swap3A_61 {strides = array<i32>} : memref<128xf32, #tpu.memory_space<vmem>>, vector<16xf32>,
    %get3A_62 = arith.constant 96 : index
    %get3A_63 = tpu.vector_load %arg8[%get3A_62] {strides = array<i32>} : memref<128xf32, #tpu.memory_space<vmem>>, vector<16xf32>,
    %get3A_64 = vector.shape_cast %get3A_63 : vector<16xf32> to vector<16xf32>
    %mul3A_65 = arith.mulf %get3A_64, %sub3A : vector<16xf32>
    %add3A_66 = arith.addf %get3A_5, %mul3A_65 : vector<16xf32>
    %swap3A_67 = arith.constant 96 : index
    %swap3A_68 = tpu.vector_load %arg9[%swap3A_67] {strides = array<i32>} : memref<128xf32, #tpu.memory_space<vmem>>, vector<16xf32>,
    %swap3A_69 = vector.shape_cast %swap3A_68 : vector<16xf32> to vector<16xf32>
    %swap3A_70 = vector.shape_cast %add3A_66 : vector<16xf32> to vector<16xf32>
    tpu.vector_store %arg9[%swap3A_67], %swap3A_70 {strides = array<i32>} : memref<128xf32, #tpu.memory_space<vmem>>, vector<16xf32>,
    %get3A_71 = arith.constant 112 : index
    %get3A_72 = tpu.vector_load %arg8[%get3A_71] {strides = array<i32>} : memref<128xf32, #tpu.memory_space<vmem>>, vector<16xf32>,
    %get3A_73 = vector.shape_cast %get3A_72 : vector<16xf32> to vector<16xf32>
    %mul3A_74 = arith.mulf %get3A_73, %sub3A : vector<16xf32>
    %add3A_75 = arith.addf %get3A_5, %mul3A_74 : vector<16xf32>
    %swap3A_76 = arith.constant 112 : index
    %swap3A_77 = tpu.vector_load %arg9[%swap3A_76] {strides = array<i32>} : memref<128xf32, #tpu.memory_space<vmem>>, vector<16xf32>,
    %swap3A_78 = vector.shape_cast %swap3A_77 : vector<16xf32> to vector<16xf32>
    %swap3A_79 = vector.shape_cast %add3A_75 : vector<16xf32> to vector<16xf32>
    tpu.vector_store %arg9[%swap3A_76], %swap3A_79 {strides = array<i32>} : memref<128xf32, #tpu.memory_space<vmem>>, vector<16xf32>,
    %dma_start3A = arith.constant 0 : i32
    %dma_start3A_80 = tpu.memref_slice %arg2[%dma_start3A] : memref<16777216xf32, #tpu.memory_space<hbm>> -> memref<16777216xf32, #tpu.memory_space<hbm>>
    tpu.enqueue_indirect_dma source(%arg9 : memref<128xf32, #tpu.memory_space<vmem>>) target(%dma_start3A_80 : memref<16777216xf32, #tpu.memory_space<hbm>>) offsets(%arg7 : memref<128xi32, #tpu.memory_space<vmem>>) semaphore(%arg12 : memref<!tpu.dma_semaphore, #tpu.memory_space<semaphore_mem>>)
    %dma_wait3A = arith.constant 0 : i32
    %dma_wait3A_81 = tpu.memref_slice %arg2[%dma_wait3A] : memref<16777216xf32, #tpu.memory_space<hbm>> -> memref<16777216xf32, #tpu.memory_space<hbm>>
    tpu.wait_indirect_dma semaphore(%arg12 : memref<!tpu.dma_semaphore, #tpu.memory_space<semaphore_mem>>) src(%arg9 : memref<128xf32, #tpu.memory_space<vmem>>) dst(%dma_wait3A_81 : memref<16777216xf32, #tpu.memory_space<hbm>>)
    return
  }
}

module attributes {stable_mosaic.version = 14 : i64} {
  func.func @_minmax_body(%arg0: i32, %arg1: memref<512x1024xf32, #tpu.memory_space<vmem>>, %arg2: memref<2x128xf32, #tpu.memory_space<vmem>>) attributes {dimension_semantics = [#tpu.dimension_semantics<arbitrary>], iteration_bounds = array<i64: 32>, scalar_prefetch = 0 : i64, scratch_operands = 0 : i64, tpu.core_type = #tpu.core_type<tc>, window_params = [{transform_indices = @transform_0, window_bounds = array<i64: 512, 1024>}, {pipeline_mode = #tpu.pipeline_mode<synchronous>, transform_indices = @transform_1, window_bounds = array<i64: 2, 128>}]} {
    %get3A = arith.constant 0 : index
    %get3A_0 = arith.constant 0 : index
    %get3A_1 = vector.load %arg1[%get3A, %get3A_0] : memref<512x1024xf32, #tpu.memory_space<vmem>>, vector<512x1024xf32>
    %reduce_min3A = vector.shape_cast %get3A_1 : vector<512x1024xf32> to vector<1x512x1024xf32>
    %reduce_min3A_2 = arith.constant dense<0x7F800000> : vector<1xf32>
    %reduce_min3A_3 = vector.multi_reduction <minimumf>, %reduce_min3A, %reduce_min3A_2 [1, 2] : vector<1x512x1024xf32> to vector<1xf32>
    %reduce_min3A_4 = vector.shape_cast %reduce_min3A_3 : vector<1xf32> to vector<1x1x1xf32>
    %reduce_min3A_5 = vector.extract %reduce_min3A_4[0, 0, 0] : f32 from vector<1x1x1xf32>
    %reduce_max3A = vector.shape_cast %get3A_1 : vector<512x1024xf32> to vector<1x512x1024xf32>
    %reduce_max3A_6 = arith.constant dense<0xFF800000> : vector<1xf32>
    %reduce_max3A_7 = vector.multi_reduction <maximumf>, %reduce_max3A, %reduce_max3A_6 [1, 2] : vector<1x512x1024xf32> to vector<1xf32>
    %reduce_max3A_8 = vector.shape_cast %reduce_max3A_7 : vector<1xf32> to vector<1x1x1xf32>
    %reduce_max3A_9 = vector.extract %reduce_max3A_8[0, 0, 0] : f32 from vector<1x1x1xf32>
    %eq3A = arith.constant 0 : i32
    %eq3A_10 = arith.cmpi eq, %arg0, %eq3A : i32
    %convert_element_type3A = arith.extui %eq3A_10 : i1 to i32
    %cond3A = arith.constant 0 : i32
    %cond3A_11 = arith.cmpi ne, %convert_element_type3A, %cond3A : i32
    scf.if %cond3A_11 {
      %broadcast_in_dim3A = vector.broadcast %reduce_min3A_5 : f32 to vector<1x128xf32>
      %swap3A = arith.constant 0 : index
      %swap3A_16 = arith.constant 0 : index
      %swap3A_17 = vector.load %arg2[%swap3A, %swap3A_16] : memref<2x128xf32, #tpu.memory_space<vmem>>, vector<1x128xf32>
      tpu.vector_store %arg2[%swap3A, %swap3A_16], %broadcast_in_dim3A {strides = array<i32>} : memref<2x128xf32, #tpu.memory_space<vmem>>, vector<1x128xf32>,
      %broadcast_in_dim3A_18 = vector.broadcast %reduce_max3A_9 : f32 to vector<1x128xf32>
      %swap3A_19 = arith.constant 1 : index
      %swap3A_20 = arith.constant 0 : index
      %swap3A_21 = vector.load %arg2[%swap3A_19, %swap3A_20] : memref<2x128xf32, #tpu.memory_space<vmem>>, vector<1x128xf32>
      tpu.vector_store %arg2[%swap3A_19, %swap3A_20], %broadcast_in_dim3A_18 {strides = array<i32>} : memref<2x128xf32, #tpu.memory_space<vmem>>, vector<1x128xf32>,
    } else {
    }
    %gt3A = arith.constant 0 : i32
    %gt3A_12 = arith.cmpi sgt, %arg0, %gt3A : i32
    %convert_element_type3A_13 = arith.extui %gt3A_12 : i1 to i32
    %cond3A_14 = arith.constant 0 : i32
    %cond3A_15 = arith.cmpi ne, %convert_element_type3A_13, %cond3A_14 : i32
    scf.if %cond3A_15 {
      %get3A_16 = arith.constant 0 : index
      %get3A_17 = arith.constant 0 : index
      %get3A_18 = vector.load %arg2[%get3A_16, %get3A_17] : memref<2x128xf32, #tpu.memory_space<vmem>>, vector<1x128xf32>
      %min3A = vector.broadcast %reduce_min3A_5 : f32 to vector<1x128xf32>
      %min3A_19 = arith.minimumf %get3A_18, %min3A : vector<1x128xf32>
      %swap3A = arith.constant 0 : index
      %swap3A_20 = arith.constant 0 : index
      %swap3A_21 = vector.load %arg2[%swap3A, %swap3A_20] : memref<2x128xf32, #tpu.memory_space<vmem>>, vector<1x128xf32>
      tpu.vector_store %arg2[%swap3A, %swap3A_20], %min3A_19 {strides = array<i32>} : memref<2x128xf32, #tpu.memory_space<vmem>>, vector<1x128xf32>,
      %get3A_22 = arith.constant 1 : index
      %get3A_23 = arith.constant 0 : index
      %get3A_24 = vector.load %arg2[%get3A_22, %get3A_23] : memref<2x128xf32, #tpu.memory_space<vmem>>, vector<1x128xf32>
      %max3A = vector.broadcast %reduce_max3A_9 : f32 to vector<1x128xf32>
      %max3A_25 = arith.maximumf %get3A_24, %max3A : vector<1x128xf32>
      %swap3A_26 = arith.constant 1 : index
      %swap3A_27 = arith.constant 0 : index
      %swap3A_28 = vector.load %arg2[%swap3A_26, %swap3A_27] : memref<2x128xf32, #tpu.memory_space<vmem>>, vector<1x128xf32>
      tpu.vector_store %arg2[%swap3A_26, %swap3A_27], %max3A_25 {strides = array<i32>} : memref<2x128xf32, #tpu.memory_space<vmem>>, vector<1x128xf32>,
    } else {
    }
    return
  }
  func.func @transform_0(%arg0: i32) -> (i32, i32) {
    %c0_i32 = arith.constant 0 : i32
    %c0_i32_0 = arith.constant 0 : i32
    return %arg0, %c0_i32 : i32, i32
  }
  func.func @transform_1(%arg0: i32) -> (i32, i32) {
    %c0_i32 = arith.constant 0 : i32
    %c0_i32_0 = arith.constant 0 : i32
    %c0_i32_1 = arith.constant 0 : i32
    return %c0_i32, %c0_i32_0 : i32, i32
  }
}

</mosaic_0001>

<sc_bundles>
// kernel: kernel.4.cloned.1.call-start
scs
__scs_entry_jumppad:
0x0: {  	(pc) =	sbr.rel $0x88, $3  }
0x1: {  	(tag) =	ssettag $0x0;
	lr =	simm.s32 $0x1  }
0x2: {  	[smem:$0x3F9E] =	sst lr;
	_ =	strace $0xD0000000  }
0x3: {  	_ = 	snop  }
0x4: {  	_ = 	snop  }
0x5: {  	_ = 	snop  }
0x6: {  	_ = 	snop  }
0x7: {  	_ = 	snop  }
__scs_overlays_trampoline_lowered:
0x8: {  	[smem:$0x3FAD] =	sst s0  }
0x9: {  	[smem:$0x3FAE] =	sst s1  }
0xa: {  	[smem:$0x3FAF] =	sst s2  }
0xb: {  	[smem:$0x3FB0] =	sst s3  }
0xc: {  	[smem:$0x3FB1] =	sst s4  }
0xd: {  	[smem:$0x3FB2] =	sst s5  }
0xe: {  	[smem:$0x3FB3] =	sst s6  }
0xf: {  	[smem:$0x3FB4] =	sst s7  }
0x10: {  	[smem:$0x3FB5] =	sst s8  }
0x11: {  	[smem:$0x3FB6] =	sst s9;
	s0 =	simm.s32 @!p0 $0x0  }
0x12: {  	s1 =	sld [smem:$0x3F9C];
	s0 =	simm.s32 @p0 $0x1  }
0x13: {  	[smem:$0x3FB7] =	sst s0;
	s0 =	simm.s32 @!p1 $0x0  }
0x14: {  	s2 =	sld [smem:$0x3F9B];
	s0 =	simm.s32 @p1 $0x1  }
0x15: {  	[smem:$0x3FB8] =	sst s0;
	s0 =	simm.s32 @!p2 $0x0  }
0x16: {  	s3 =	sld [smem:$0x3FDB];
	s0 =	simm.s32 @p2 $0x1  }
0x17: {  	s4 =	simm.s32 $0x1BF5;
	[smem:$0x3FBA] =	sst s0  }
0x18: {  	s0 =	sld [smem:$0x3F9D];
	_ =	swait.ge [sflag:s4], $0x0  }
0x19: {  	s7 =	sld [smem:$0x3F9E]  }
0x1a: {  	s8 =	sadd.s32 $0xFFFFE003, lr  }
0x1b: {  	s9 =	sadd.s32 $0xFFFFFEF7, lr;
	s5 =	simm.s32 $0xFFFFFFFF;
	p2 =	slt.u32 s8, $0xFFFFF086  }
0x1c: {  	p1 =	slt.u32 s9, $0xF7A;
	s5 =	simm.s32 @!p2 $0x0  }
0x1d: {  	s5 =	simm.s32 @p1 $0x1;
	p0 =	seq.s32 s7, s2  }
0x1e: {  	s7 =	smul.u32 @!p0 $0xF7A, s2;
	p2 =	seq.s32 @!p0 s5, $0x0  }
0x1f: {  	s9 =	smul.u32 $0xF7A, s1;
	s8 =	simm.s32 @!p0 $0x1BF5;
	p2 =	por !p2, p0  }
0x20: {  	[sflag:s8] =	ssyncset.s32 @!p0 $0xFFFFF086;
	s6 =	sadd.s32 @!p0 s3, s7;
	s7 =	simm.s32 @!p0 $0x108  }
0x21: {  	s3 =	sadd.s32 s3, s9;
	s6 =	sadd.s32 @!p0 $0x88, s6;
	s7 =	simm.s32 @p2 $0x1082  }
0x22: {  	[simem:s7], [sflag:s8] =	dma.local @!p0 [hbm:s6], $0xF7A  }
0x23: {  	s9 =	sor.u32 $0xD0000000, s2;
	s6 =	simm.s32 $0x108;
	_ =	swait.ge @!p0 [sflag:s8], $0x0  }
0x24: {  	s3 =	sadd.s32 $0x88, s3;
	s6 =	simm.s32 @!p1 $0x1082;
	[sflag:s4] =	ssyncset.s32 $0xFFFFF086  }
0x25: {  	[simem:s6], [sflag:s4] =	dma.local [hbm:s3], $0xF7A  }
0x26: {  	[smem:$0x3F9E] =	sst s1;
	(tag) =	ssettag s2;
	_ =	strace s9  }
0x27: {  	s1 =	sld [smem:$0x3FAE]  }
0x28: {  	s2 =	sld [smem:$0x3FAF]  }
0x29: {  	s4 =	sld [smem:$0x3FB1]  }
0x2a: {  	p0 =	seq.s32 s5, $0x0;
	s5 =	sld [smem:$0x3FB2]  }
0x2b: {  	s6 =	sld [smem:$0x3FB3]  }
0x2c: {  	s7 =	sld [smem:$0x3FB4]  }
0x2d: {  	s3 =	simm.s32 $0x108;
	s8 =	sld [smem:$0x3FB5]  }
0x2e: {  	s3 =	simm.s32 @!p0 $0x1082;
	s9 =	sld [smem:$0x3FB6]  }
0x2f: {  	lr =	sadd.s32 s0, s3;
	s0 =	sld [smem:$0x3FAD]  }
0x30: {  	s3 =	sld [smem:$0x3FB0]  }
0x31: {  	[smem:$0x3FB9] =	sst s10  }
0x32: {  	s10 =	sld [smem:$0x3FB7];
	_ =	sdelay $0x3  }
0x33: {  	p0 =	seq.s32 s10, $0x1;
	s10 =	sld [smem:$0x3FB9];
	_ =	sdelay $0x3  }
0x34: {  	[smem:$0x3FB9] =	sst s10  }
0x35: {  	s10 =	sld [smem:$0x3FB8];
	_ =	sdelay $0x3  }
0x36: {  	p1 =	seq.s32 s10, $0x1;
	s10 =	sld [smem:$0x3FB9];
	_ =	sdelay $0x3  }
0x37: {  	[smem:$0x3FB9] =	sst s10  }
0x38: {  	s10 =	sld [smem:$0x3FBA]  }
0x39: {  	_ = 	snop;
	(pc) =	sbr.ind lr, $3  }
0x3a: {  	_ = 	snop  }
0x3b: {  	_ = 	snop  }
0x3c: {  	p2 =	seq.s32 s10, $0x1;
	s10 =	sld [smem:$0x3FB9]  }
0x3d: {  	_ =	shalt  }
0x3e: {  	_ =	shalt  }
0x3f: {  	_ =	shalt  }
0x40: {  	_ =	shalt  }
0x41: {  	_ =	shalt  }
0x42: {  	_ =	shalt  }
0x43: {  	_ =	shalt  }
0x44: {  	_ =	shalt  }
0x45: {  	_ =	shalt  }
0x46: {  	_ =	shalt  }
0x47: {  	_ =	shalt  }
0x48: {  	_ =	shalt  }
0x49: {  	_ =	shalt  }
0x4a: {  	_ =	shalt  }
0x4b: {  	_ =	shalt  }
0x4c: {  	_ =	shalt  }
0x4d: {  	_ =	shalt  }
0x4e: {  	_ =	shalt  }
0x4f: {  	_ =	shalt  }
0x50: {  	_ =	shalt  }
0x51: {  	_ =	shalt  }
0x52: {  	_ =	shalt  }
0x53: {  	_ =	shalt  }
0x54: {  	_ =	shalt  }
0x55: {  	_ =	shalt  }
0x56: {  	_ =	shalt  }
0x57: {  	_ =	shalt  }
0x58: {  	_ =	shalt  }
0x59: {  	_ =	shalt  }
0x5a: {  	_ =	shalt  }
0x5b: {  	_ =	shalt  }
0x5c: {  	_ =	shalt  }
0x5d: {  	_ =	shalt  }
0x5e: {  	_ =	shalt  }
0x5f: {  	_ =	shalt  }
0x60: {  	_ =	shalt  }
0x61: {  	_ =	shalt  }
0x62: {  	_ =	shalt  }
0x63: {  	_ =	shalt  }
0x64: {  	_ =	shalt  }
0x65: {  	_ =	shalt  }
0x66: {  	_ =	shalt  }
0x67: {  	_ =	shalt  }
0x68: {  	_ =	shalt  }
0x69: {  	_ =	shalt  }
0x6a: {  	_ =	shalt  }
0x6b: {  	_ =	shalt  }
0x6c: {  	_ =	shalt  }
0x6d: {  	_ =	shalt  }
0x6e: {  	_ =	shalt  }
0x6f: {  	_ =	shalt  }
0x70: {  	_ =	shalt  }
0x71: {  	_ =	shalt  }
0x72: {  	_ =	shalt  }
0x73: {  	_ =	shalt  }
0x74: {  	_ =	shalt  }
0x75: {  	_ =	shalt  }
0x76: {  	_ =	shalt  }
0x77: {  	_ =	shalt  }
0x78: {  	_ =	shalt  }
0x79: {  	_ =	shalt  }
0x7a: {  	_ =	shalt  }
0x7b: {  	_ =	shalt  }
0x7c: {  	_ =	shalt  }
0x7d: {  	_ =	shalt  }
0x7e: {  	_ =	shalt  }
0x7f: {  	_ =	shalt  }
0x80: {  	_ =	shalt  }
0x81: {  	_ =	shalt  }
0x82: {  	_ =	shalt  }
0x83: {  	_ =	shalt  }
0x84: {  	_ =	shalt  }
0x85: {  	_ =	shalt  }
0x86: {  	_ =	shalt  }
0x87: {  	_ =	shalt  }
.Lfunc_end0:
.L_simem_size_0:
called_computation.1_lowered:
.L_overlay_start_0:
0x88: {  	s2 =	sld [smem:$0x3FD9]  }
0x89: {  	s3 =	sld [smem:$0x3FFE];
	_ =	sdelay $0x1  }
0x8a: {  	s1 =	srdreg.scid  }
0x8b: {  	s0 =	sand.u32 $0x1, s1  }
0x8c: {  	s17 =	sshll.u32 s0, $0xA;
	s2 =	sadd.s32 s3, s2  }
0x8d: {  	s2 =	sadd.s32 s2, s17  }
0x8e: {  	[smem:$0x3FC5] =	sst s2  }
0x8f: {  	_ = 	snop  }
0x90: {  	s2 =	sld [smem:$0x3FC8]  }
0x91: {  	s18 =	sld [smem:$0x3FC7]  }
0x92: {  	s4 =	sld [smem:$0x3FD0];
	(tm) =	ssettm $0x1  }
0x93: {  	s5 =	sld [smem:$0x3FFB];
	_ =	sdelay $0x3  }
0x94: {  	_ =	strace s5  }
0x95: {  	s5 =	sld [smem:$0x3FFC];
	_ =	sdelay $0x3  }
0x96: {  	_ =	strace s5  }
0x97: {  	s5 =	sld [smem:$0x3FFD];
	_ =	sdelay $0x3  }
0x98: {  	_ =	strace s5  }
0x99: {  	_ =	strace $0x8FFFFFFF  }
0x9a: {  	s19 =	sld [smem:$0x3FDB];
	_ =	sdelay $0x1  }
0x9b: {  	s6 =	simm.s32 $_scs_section_size  }
0x9c: {  	s7 =	simm.s32 $_size__tile_overlayer_lowered;
	s8 =	simm.s32 $_tile_overlayer_lowered  }
0x9d: {  	s22 =	simm.s32 $0x1BFF;
	s21 =	sshll.u32 s8, $0x1;
	s5 =	sadd.s32 s6, s19  }
0x9e: {  	s9 =	simm.s32 $0x0;
	s20 =	sshll.u32 s7, $0x1;
	s7 =	sadd.s32 s21, s5  }
0x9f: {  	[timem:s9], [sflag:s22] =	dma.local [hbm:s7], s20  }
0xa0: {  	_ =	swait.ge [sflag:s22], s20  }
0xa1: {  	s6 =	ssub.s32 $0x0, s20;
	[sflag:s22] =	ssyncset.done $0x0  }
0xa2: {  	[sflag:s22] =	ssyncadd.s32 s6;
	_ =	sdelay $0x1  }
0xa3: {  	s23 =	simm.s32 $0x1B8B  }
0xa4: {  	_ =	swait.ge [sflag:s23], $0x1  }
0xa5: {  	[sflag:s23] =	ssyncset.done $0x0  }
0xa6: {  	s25 =	simm.s32 $0x1B8E;
	s24 =	sld [smem:$0x3FFE];
	[sflag:s23] =	ssyncadd.s32 $0xFFFFFFFF  }
0xa7: {  	s26 =	simm.s32 $execute0_lowered;
	[smem:$0x3FD2] =	sst s25  }
0xa8: {  	s7 =	sshll.u32 s26, $0x1;
	_ =	strace $0x80000049;
	[dreg:$0x1] =	wrdreg $0xFFFFFFFF  }
0xa9: {  	s28 =	simm.s32 $_size_execute0_lowered;
	s5 =	sadd.s32 s5, s7;
	[dreg:$0x0] =	wrdreg $0x0  }
0xaa: {  	s7 =	sshll.u32 s28, $0x1;
	[dreg:$0x2] =	wrdreg s5  }
0xab: {  	[dreg:$0x3] =	wrdreg s7  }
0xac: {  	[dreg:$0x4] =	wrdreg $0xC0  }
0xad: {  	_ =	task [dreg:s9], $0x5FFFF  }
0xae: {  	[dreg:$0x1] =	wrdreg $0xFFFFFFFF  }
0xaf: {  	[dreg:$0x0] =	wrdreg $0x60  }
0xb0: {  	[dreg:$0x2] =	wrdreg s24  }
0xb1: {  	[dreg:$0x3] =	wrdreg s2  }
0xb2: {  	[dreg:$0x4] =	wrdreg s18  }
0xb3: {  	[dreg:$0x5] =	wrdreg s4  }
0xb4: {  	[dreg:$0x6] =	wrdreg $0x9  }
0xb5: {  	_ =	task.clear_ibuf [dreg:s9], $0x7FFFF;
	_ =	strace $0x90000049  }
0xb6: {  	s29 =	simm.s32 $0x9;
	_ =	strace $0x8000004B  }
0xb7: {  	_ =	swait.ge [sflag:s29], $0x1  }
0xb8: {  	[sflag:s29] =	ssyncadd.s32 $0xFFFFFFFF  }
0xb9: {  	_ =	strace $0x9000004B  }
0xba: {  	_ =	sfence  }
0xbb: {  	s30 =	sld [smem:$0x0];
	_ =	sdelay $0x2  }
0xbc: {  	s31 =	sshll.u32 s1, $0xD;
	s1 =	sshrl.u32 s1, $0x2  }
0xbd: {  	s3 =	sand.u32 $0x4000, s31;
	s1 =	sadd.s32 s1, s30  }
0xbe: {  	s0 =	sor.u32 s3, s0;
	s1 =	sshll.u32 s1, $0x11  }
0xbf: {  	s0 =	sor.u32 s1, s0  }
0xc0: {  	s0 =	sadd.s32 $0x8F2B, s0  }
0xc1: {  	[sflag:s0] =	ssyncadd.remote.s32 $0x1  }
0xc2: {  	_ =	sfence.sel $0xFFFF  }
0xc3: {  	[dreg:$0x0] =	wrdreg $0xFFFFFFFF;
	(pc) =	sbr.abs _section_cstart, $3  }
0xc4: {  	[dreg:$0x1] =	wrdreg $0xFFFFFFFF  }
0xc5: {  	_ =	task.clear_ibuf [dreg:s9], $0x2FFFF;
	_ =	strace $0x9FFFFFFF  }
0xc6: {  	(tm) =	ssettm $0x7FFFFFFF  }
0xc7: {  	_ =	shalt  }
tec
execute0_lowered:
.L_overlay_start_1:
0x0: {  	(tag) =	ssettag $0x1  }
0x1: {  	s11 =	rddreg [dreg:$0x0]  }
0x2: {  	s4 =	rddreg [dreg:$0x1]  }
0x3: {  	s7 =	rddreg [dreg:$0x2]  }
0x4: {  	s3 =	rddreg [dreg:$0x3];
	s2 =	srdreg.scid  }
0x5: {  	s0 =	rddreg [dreg:$0x4];
	s1 =	stileid.u32;
	s12 =	sand.u32 $0x1, s2  }
0x6: {  	s2 =	simm.s32 $0x0;
	s5 =	sshll.u32 s1, $0x5;
	s6 =	sshll.u32 s12, $0x4  }
0x7: {  	[smem:$0x7FF] =	sst s2;
	s8 =	sor.u32 s6, s5  }
0x8: {  	_ =	strace $0x8000004A;
	s6 =	simm.s32 $0x2;
	s5 =	sadd.s32 s4, s8  }
0x9: {  	[tilespmem:s2], [sflag:$0x2] =	stream.linear.gather [hbm4b:s5+s2], $0x80, $0x38;
	[tilespmem:$0x280] =	vst v63  }
0xa: {  	_ =	swait.ge [sflag:s6], $0x80  }
0xb: {  	[sflag:s6] =	ssyncset.done $0x0  }
0xc: {  	s7 =	sadd.s32 s7, s8;
	s4 =	simm.s32 $0x80;
	[sflag:s6] =	ssyncadd.s32 $0xFFFFFF80  }
0xd: {  	[tilespmem:s4], [sflag:$0x2] =	stream.linear.gather [hbm4b:s7+s2], $0x80, $0x38;
	[tilespmem:$0x280] =	vst v63  }
0xe: {  	_ =	swait.ge [sflag:s6], $0x80  }
0xf: {  	[sflag:s6] =	ssyncset.done $0x0  }
0x10: {  	s8 =	simm.s32 $0x180;
	[sflag:s6] =	ssyncadd.s32 $0xFFFFFF80  }
0x11: {  	[tilespmem:s8], [sflag:$0x2] =	stream.linear.gather [hbm4b:s3+s2], $0x80, $0x38;
	[tilespmem:$0x280] =	vst v63  }
0x12: {  	_ =	swait.ge [sflag:s6], $0x80  }
0x13: {  	[sflag:s6] =	ssyncset.done $0x0  }
0x14: {  	s10 =	simm.s32 $0x200;
	s9 =	sadd.s32 $0x10, s3;
	[sflag:s6] =	ssyncadd.s32 $0xFFFFFF80  }
0x15: {  	[tilespmem:s10], [sflag:$0x2] =	stream.linear.gather [hbm4b:s9+s2], $0x80, $0x38;
	[tilespmem:$0x280] =	vst v63  }
0x16: {  	_ =	swait.ge [sflag:s6], $0x80  }
0x17: {  	[sflag:s6] =	ssyncset.done $0x0  }
0x18: {  	[sflag:s6] =	ssyncadd.s32 $0xFFFFFF80  }
0x19: {  	v1 =	vld [tilespmem:$0x80]  }
0x1a: {  	v0 =	vld [tilespmem:$0x180]  }
0x1b: {  	v3 =	vld [tilespmem:$0x200]  }
0x1c: {  	v2 =	vld [tilespmem:$0x90]  }
0x1d: {  	v4 =	vld [tilespmem:$0xA0]  }
0x1e: {  	s12 =	ssub.s32 $0x2, s12;
	v6 =	vld [tilespmem:$0xC0]  }
0x1f: {  	s13 =	sshrl.u32 s12, $0x1;
	v7 =	vld [tilespmem:$0xB0]  }
0x20: {  	s12 =	ssub.s32 s12, s13;
	v5 =	vld [tilespmem:$0xD0];
	v8 =	vsub.f32 v3, v0  }
0x21: {  	s14 =	smax.u32 s12, $0x1;
	v9 =	vld [tilespmem:$0xF0]  }
0x22: {  	p0 =	sne.s32 s14, $0x1;
	v3 =	vld [tilespmem:$0xE0];
	v10 =	vmul.f32 v8, v1  }
.Ltmp0:
0x23: {  	v1 =	vmul.f32 v2, v8;
	v2 =	vmul.f32 v4, v8;
	(pc) =	sbr.rel @!p0 .LBB2_2-.Ltmp0, $4  }
0x24: {  	v4 =	vmul.f32 v6, v8;
	v7 =	vmul.f32 v7, v8  }
0x25: {  	v63 =	vmul.f32 v5, v8;
	v6 =	vadd.f32 v10, v0;
	v2 =	vadd.f32 v2, v0  }
0x26: {  	s11 =	sadd.s32 $0xA00, s11;
	v4 =	vadd.f32 v4, v0;
	v5 =	vadd.f32 v7, v0  }
0x27: {  	s13 =	simm.s32 $0x100;
	s12 =	simm.s32 $0x1;
	s14 =	sadd.s32 $0xFFFFFFFF, s14;
	v7 =	vmul.f32 v9, v8;
	v3 =	vmul.f32 v3, v8;
	[tilespmem:$0x100] =	vst v6;
	v6 =	vadd.f32 v63, v0  }
.LBB2_1:
0x28: {  	p0 =	sne.s32 s14, $0x1;
	s14 =	sadd.s32 $0xFFFFFFFF, s14;
	v1 =	vadd.f32 v1, v0;
	[tilespmem:$0x140] =	vst v4  }
0x29: {  	[tilespmem:$0x150] =	vst v6;
	v4 =	vadd.f32 v7, v0  }
0x2a: {  	[tilespmem:$0x130] =	vst v5  }
0x2b: {  	v0 =	vadd.f32 v3, v0;
	[tilespmem:$0x170] =	vst v4  }
0x2c: {  	[tilespmem:$0x120] =	vst v2  }
0x2d: {  	[tilespmem:$0x160] =	vst v0  }
0x2e: {  	[tilespmem:$0x110] =	vst v1  }
0x2f: {  	[hbm4b:s11+s4] =	stream.indirect.scatter [tilespmem:s13], [sflag:$0x1], $0x1, s2, s4, $0xb8;
	[tilespmem:$0x280] =	vst v63  }
0x30: {  	_ =	swait.ge [sflag:s12], $0x80  }
0x31: {  	[sflag:s12] =	ssyncset.done $0x0  }
0x32: {  	[sflag:s12] =	ssyncadd.s32 $0xFFFFFF80  }
0x33: {  	[tilespmem:s2], [sflag:$0x2] =	stream.linear.gather [hbm4b:s5+s2], $0x80, $0x38;
	[tilespmem:$0x280] =	vst v63  }
0x34: {  	_ =	swait.ge [sflag:s6], $0x80  }
0x35: {  	[sflag:s6] =	ssyncset.done $0x0  }
0x36: {  	[sflag:s6] =	ssyncadd.s32 $0xFFFFFF80  }
0x37: {  	[tilespmem:s4], [sflag:$0x2] =	stream.linear.gather [hbm4b:s7+s2], $0x80, $0x38;
	[tilespmem:$0x280] =	vst v63  }
0x38: {  	_ =	swait.ge [sflag:s6], $0x80  }
0x39: {  	[sflag:s6] =	ssyncset.done $0x0  }
0x3a: {  	[sflag:s6] =	ssyncadd.s32 $0xFFFFFF80  }
0x3b: {  	[tilespmem:s8], [sflag:$0x2] =	stream.linear.gather [hbm4b:s3+s2], $0x80, $0x38;
	[tilespmem:$0x280] =	vst v63  }
0x3c: {  	_ =	swait.ge [sflag:s6], $0x80  }
0x3d: {  	[sflag:s6] =	ssyncset.done $0x0  }
0x3e: {  	[sflag:s6] =	ssyncadd.s32 $0xFFFFFF80  }
0x3f: {  	[tilespmem:s10], [sflag:$0x2] =	stream.linear.gather [hbm4b:s9+s2], $0x80, $0x38;
	[tilespmem:$0x280] =	vst v63  }
0x40: {  	_ =	swait.ge [sflag:s6], $0x80  }
0x41: {  	[sflag:s6] =	ssyncset.done $0x0  }
0x42: {  	[sflag:s6] =	ssyncadd.s32 $0xFFFFFF80  }
0x43: {  	v1 =	vld [tilespmem:$0x80]  }
0x44: {  	v2 =	vld [tilespmem:$0x90]  }
0x45: {  	v0 =	vld [tilespmem:$0x180]  }
0x46: {  	v3 =	vld [tilespmem:$0x200]  }
0x47: {  	v4 =	vld [tilespmem:$0xA0]  }
0x48: {  	v5 =	vld [tilespmem:$0xD0]  }
0x49: {  	v6 =	vld [tilespmem:$0xC0]  }
0x4a: {  	v7 =	vld [tilespmem:$0xB0]  }
0x4b: {  	v8 =	vsub.f32 v3, v0;
	v3 =	vld [tilespmem:$0xE0]  }
0x4c: {  	v9 =	vld [tilespmem:$0xF0]  }
.Ltmp1:
0x4d: {  	v10 =	vmul.f32 v8, v1;
	v1 =	vmul.f32 v2, v8;
	(pc) =	sbr.rel @p0 .LBB2_1-.Ltmp1, $4  }
0x4e: {  	v2 =	vmul.f32 v4, v8;
	v4 =	vmul.f32 v6, v8  }
0x4f: {  	v6 =	vadd.f32 v10, v0;
	v7 =	vmul.f32 v7, v8;
	v10 =	vmul.f32 v5, v8  }
0x50: {  	v2 =	vadd.f32 v2, v0;
	v4 =	vadd.f32 v4, v0;
	v3 =	vmul.f32 v3, v8  }
0x51: {  	[tilespmem:$0x100] =	vst v6;
	v5 =	vadd.f32 v7, v0;
	v6 =	vadd.f32 v10, v0;
	v7 =	vmul.f32 v9, v8  }
.LBB2_2:
0x52: {  	[tilespmem:$0x140] =	vst v4  }
0x53: {  	[tilespmem:$0x120] =	vst v2  }
0x54: {  	v63 =	vadd.f32 v1, v0;
	[tilespmem:$0x150] =	vst v6  }
0x55: {  	v62 =	vadd.f32 v7, v0;
	[tilespmem:$0x130] =	vst v5  }
0x56: {  	v3 =	vadd.f32 v3, v0;
	[tilespmem:$0x110] =	vst v63  }
0x57: {  	[tilespmem:$0x170] =	vst v62  }
0x58: {  	[tilespmem:$0x160] =	vst v3  }
0x59: {  	[hbm4b:s11+s4] =	stream.indirect.scatter [tilespmem:s13], [sflag:$0x1], $0x1, s2, s4, $0xb8;
	[tilespmem:$0x280] =	vst v63  }
0x5a: {  	_ =	swait.ge [sflag:s12], $0x80  }
0x5b: {  	[sflag:s12] =	ssyncset.done $0x0  }
0x5c: {  	[sflag:s12] =	ssyncadd.s32 $0xFFFFFF80  }
0x5d: {  	_ =	sfence.sel $0x180000  }
0x5e: {  	[bflag:$0x0] =	sbarrier.arrive $0xFFFF  }
0x5f: {  	p0 =	sne.s32 s1, $0x0;
	_ =	strace $0x9000004A  }
0x60: {  	s0 =	sadd.s32 @!p0 $0x100000, s0;
	[bflag:$0x2] =	sbarrier.arrive $0xFFFF  }
0x61: {  	[sflag:s0] =	ssyncadd.tile.s32 @!p0 $0x1;
	_ =	shalt  }
.Lfunc_end2:
_tile_overlayer_lowered:
.L_overlay_start_2:
0x62: {  	(tag) =	ssettag $0x2  }
0x63: {  	s0 =	rddreg [dreg:$0x0];
	s2 =	stileid.u32  }
0x64: {  	s1 =	rddreg [dreg:$0x1];
	p0 =	sne.s32 s2, $0x0  }
0x65: {  	s3 =	rddreg [dreg:$0x2];
	[bflag:$0x3] =	sbarrier.arrive $0xFFFF;
	s2 =	simm.s32 @!p0 $0x1C02  }
0x66: {  	[timem:s3], [sflag:s2] =	dma.local @!p0 [hbm:s0], s1  }
0x67: {  	s0 =	simm.s32 @!p0 $0x2  }
0x68: {  	_ =	swait.ge @!p0 [sflag:s0], s1  }
0x69: {  	s1 =	ssub.s32 @!p0 $0x0, s1;
	[sflag:s0] =	ssyncset.done @!p0 $0x0  }
0x6a: {  	[sflag:s0] =	ssyncadd.s32 @!p0 s1  }
0x6b: {  	[bflag:$0x3] =	sbarrier.arrive $0xFFFF  }
0x6c: {  	_ =	shalt  }

// kernel: sparse-core-data-format-call.cloned.1.call-start
scs
called_computation_lowered:
.L_overlay_start_0:
0x0: {  	s2 =	sld [smem:$0x3FD9]  }
0x1: {  	s3 =	sld [smem:$0x3FFE];
	_ =	sdelay $0x1  }
0x2: {  	s1 =	srdreg.scid  }
0x3: {  	s0 =	sand.u32 $0x1, s1  }
0x4: {  	s18 =	sshll.u32 s0, $0xA;
	s2 =	sadd.s32 s3, s2  }
0x5: {  	s2 =	sadd.s32 s2, s18  }
0x6: {  	[smem:$0x3FC5] =	sst s2  }
0x7: {  	_ = 	snop  }
0x8: {  	s2 =	sld [smem:$0x3FC9];
	(tm) =	ssettm $0x1  }
0x9: {  	s19 =	sld [smem:$0x3FFB];
	_ =	sdelay $0x3  }
0xa: {  	_ =	strace s19  }
0xb: {  	s3 =	sld [smem:$0x3FFC];
	_ =	sdelay $0x3  }
0xc: {  	_ =	strace s3  }
0xd: {  	s3 =	sld [smem:$0x3FFD];
	_ =	sdelay $0x3  }
0xe: {  	_ =	strace s3  }
0xf: {  	_ =	strace $0x8FFFFFFF  }
0x10: {  	s20 =	sld [smem:$0x3FDB];
	_ =	sdelay $0x1  }
0x11: {  	s4 =	simm.s32 $_scs_section_size  }
0x12: {  	s5 =	simm.s32 $_size__tile_overlayer_lowered;
	s6 =	simm.s32 $_tile_overlayer_lowered  }
0x13: {  	s23 =	simm.s32 $0x1BFF;
	s22 =	sshll.u32 s6, $0x1;
	s3 =	sadd.s32 s4, s20  }
0x14: {  	s7 =	simm.s32 $0x0;
	s21 =	sshll.u32 s5, $0x1;
	s5 =	sadd.s32 s22, s3  }
0x15: {  	[timem:s7], [sflag:s23] =	dma.local [hbm:s5], s21  }
0x16: {  	_ =	swait.ge [sflag:s23], s21  }
0x17: {  	s4 =	ssub.s32 $0x0, s21;
	[sflag:s23] =	ssyncset.done $0x0  }
0x18: {  	[sflag:s23] =	ssyncadd.s32 s4;
	_ =	sdelay $0x1  }
0x19: {  	s24 =	simm.s32 $0x1B8B  }
0x1a: {  	_ =	swait.ge [sflag:s24], $0x1  }
0x1b: {  	[sflag:s24] =	ssyncset.done $0x0  }
0x1c: {  	s26 =	simm.s32 $0x1B8E;
	s25 =	sld [smem:$0x3FFE];
	[sflag:s24] =	ssyncadd.s32 $0xFFFFFFFF  }
0x1d: {  	s27 =	simm.s32 $execute0_lowered;
	[smem:$0x3FD2] =	sst s26  }
0x1e: {  	s5 =	sshll.u32 s27, $0x1;
	_ =	strace $0x80000046;
	[dreg:$0x1] =	wrdreg $0xFFFFFFFF  }
0x1f: {  	s28 =	simm.s32 $_size_execute0_lowered;
	s3 =	sadd.s32 s3, s5;
	[dreg:$0x0] =	wrdreg $0x0  }
0x20: {  	s5 =	sshll.u32 s28, $0x1;
	[dreg:$0x2] =	wrdreg s3  }
0x21: {  	[dreg:$0x3] =	wrdreg s5  }
0x22: {  	[dreg:$0x4] =	wrdreg $0xC0  }
0x23: {  	_ =	task [dreg:s7], $0x5FFFF  }
0x24: {  	[dreg:$0x1] =	wrdreg $0xFFFFFFFF  }
0x25: {  	[dreg:$0x0] =	wrdreg $0x60  }
0x26: {  	[dreg:$0x2] =	wrdreg s2  }
0x27: {  	[dreg:$0x3] =	wrdreg s25  }
0x28: {  	[dreg:$0x4] =	wrdreg $0x9  }
0x29: {  	_ =	task.clear_ibuf [dreg:s7], $0x5FFFF;
	_ =	strace $0x90000046  }
0x2a: {  	s29 =	simm.s32 $0x9;
	_ =	strace $0x80000048  }
0x2b: {  	_ =	swait.ge [sflag:s29], $0x1  }
0x2c: {  	[sflag:s29] =	ssyncadd.s32 $0xFFFFFFFF  }
0x2d: {  	_ =	strace $0x90000048  }
0x2e: {  	_ =	sfence  }
0x2f: {  	s30 =	sld [smem:$0x0];
	_ =	sdelay $0x2  }
0x30: {  	s31 =	sshll.u32 s1, $0xD;
	s1 =	sshrl.u32 s1, $0x2  }
0x31: {  	s3 =	sand.u32 $0x4000, s31;
	s1 =	sadd.s32 s1, s30  }
0x32: {  	s0 =	sor.u32 s3, s0;
	s1 =	sshll.u32 s1, $0x11  }
0x33: {  	s0 =	sor.u32 s1, s0  }
0x34: {  	s0 =	sadd.s32 $0x8F2B, s0  }
0x35: {  	[sflag:s0] =	ssyncadd.remote.s32 $0x1  }
0x36: {  	_ =	sfence.sel $0xFFFF  }
0x37: {  	[dreg:$0x0] =	wrdreg $0xFFFFFFFF;
	(pc) =	sbr.abs _section_cstart, $3  }
0x38: {  	[dreg:$0x1] =	wrdreg $0xFFFFFFFF  }
0x39: {  	_ =	task.clear_ibuf [dreg:s7], $0x2FFFF;
	_ =	strace $0x9FFFFFFF  }
0x3a: {  	(tm) =	ssettm $0x7FFFFFFF  }
0x3b: {  	_ =	shalt  }
tec
execute0_lowered:
.L_overlay_start_1:
0x0: {  	(tag) =	ssettag $0x1  }
0x1: {  	s0 =	srdreg.scid  }
0x2: {  	s1 =	sshll.u32 s0, $0x4  }
0x3: {  	s2 =	rddreg [dreg:$0x0];
	s0 =	stileid.u32;
	s1 =	sand.u32 $0x10, s1  }
0x4: {  	s4 =	rddreg [dreg:$0x1];
	s7 =	simm.s32 $0x1;
	s1 =	sor.u32 s0, s1  }
0x5: {  	s8 =	simm.s32 $0x2;
	s9 =	simm.s32 $0x0;
	s3 =	sshll.u32 s1, $0x1  }
0x6: {  	s12 =	simm.s32 $0x0;
	s11 =	simm.s32 $0x0;
	s6 =	ssub.s32 $0x800, s3  }
.Ltmp0:
0x7: {  	s4 =	sadd.s32 $0xA00, s4;
	s5 =	sand.u32 $0x3E, s6;
	(pc) =	sbr.rel .LBB1_1-.Ltmp0, $4  }
0x8: {  	s1 =	rddreg [dreg:$0x2];
	_ =	strace $0x80000047;
	p0 =	sne.s32 s5, $0x0  }
0x9: {  	s6 =	sshrl.u32 s6, $0x6;
	s5 =	simm.s32 $0x1;
	s7 =	simm.s32 @!p0 $0x0  }
0xa: {  	s10 =	smov.u32 s3;
	[sflag:s5] =	ssyncpa.u1 $0x0;
	s6 =	sadd.s32 s7, s6  }
0xb: {  	[sflag:s8] =	ssyncpa.u1 $0x0;
	s8 =	simm.s32 $0x0;
	s7 =	sadd.s32 $0x1, s6  }
.LBB1_9:
0xc: {  	s14 =	sadd.s32 $0x40, s10  }
0xd: {  	p1 =	sgt.s32 s14, $0x7FF  }
0xe: {  	s14 =	smov.u32 @p1 s3;
	p1 =	sne.s32 s11, s7  }
.Ltmp1:
0xf: {  	p0 =	slt.u32 s11, $0x2;
	(pc) =	sbr.rel @!p1 .LBB1_10-.Ltmp1, $4  }
0x10: {  	s13 =	simm.s32 @!p0 $0x2  }
0x11: {  	s15 =	sadd.s32 $0x1, s11;
	_ =	swait.ge @!p0 [sflag:s13], $0x4000  }
0x12: {  	s12 =	smov.u32 s10;
	s9 =	sadd.s32 $0x4000, s9;
	[sflag:s13] =	ssyncset.done @!p0 $0x0  }
0x13: {  	s11 =	smov.u32 s15;
	s10 =	smov.u32 s14;
	[sflag:s13] =	ssyncadd.s32 @!p0 $0xFFFFC000  }
.LBB1_1:
0x14: {  	p0 =	sge.u32 s11, s6  }
0x15: {  	s13 =	sxor.u32 @!p0 $0xFFFFFFFF, s11  }
0x16: {  	s31 =	sadd.s32 $0xFFFFFFFF, s11;
	s14 =	sshll.u32 @!p0 s10, $0xA;
	s13 =	sshll.u32 @!p0 s13, $0xE  }
0x17: {  	s15 =	simm.s32 @!p0 $0x0;
	s14 =	sadd.s32 @!p0 s2, s14;
	s13 =	sand.u32 @!p0 $0x4000, s13  }
0x18: {  	[tilespmem:s13], [sflag:$0x1] =	stream.linear.gather @!p0 [hbm4b:s14+s15], $0x4000, $0x38;
	[tilespmem:$0x10000] =	vst v63  }
0x19: {  	p0 =	sge.u32 s31, s6  }
.Ltmp2:
0x1a: {  	_ = 	snop;
	(pc) =	sbr.rel @p0 .LBB1_9-.Ltmp2, $1  }
0x1b: {  	_ =	sdelay $0x3  }
0x1c: {  	s13 =	sshll.u32 s9, $0x2  }
0x1d: {  	_ =	swait.ge [sflag:s5], $0x4000;
	s14 =	sshll.u32 s11, $0xE;
	s16 =	simm.s32 $0x0  }
0x1e: {  	p1 =	por $0x1, $0x1;
	s13 =	sand.u32 $0x10000, s13;
	[sflag:s5] =	ssyncset.done $0x0  }
0x1f: {  	s14 =	sand.u32 $0x4000, s14;
	s15 =	sshrl.u32 s13, $0x2;
	[sflag:s5] =	ssyncadd.s32 $0xFFFFC000  }
0x20: {  	s13 =	sor.u32 $0x8000, s14;
	s14 =	sadd.s32 $0x8040, s15;
	s15 =	sadd.s32 $0x40, s15  }
.LBB1_3:
0x21: {  	s16 =	sshll.u32 s16, $0x2  }
0x22: {  	p0 =	por p1, p1;
	s17 =	sshra.s32 s16, $0x2  }
0x23: {  	s18 =	simm.s32 $0x0;
	s16 =	sadd.s32 s17, s14;
	s17 =	sadd.s32 s17, s15  }
.LBB1_4:
0x24: {  	v0 =	vmov s17;
	_ =	sdelay $0x3  }
0x25: {  	s20 =	simm.s32 $0x0  }
0x26: {  	v6 =	vld.idx.msk [tilespmem:v0+s20+$0x30 ss:$0x1], $0xffff  }
0x27: {  	v7 =	vld.idx.msk [tilespmem:v0+s20+$0xFFFFFFC0 ss:$0x1], $0xffff  }
0x28: {  	v5 =	vld.idx.msk [tilespmem:v0+s20+$0xFFFFFFD0 ss:$0x1], $0xffff  }
0x29: {  	v4 =	vld.idx.msk [tilespmem:v0+s20+$0xFFFFFFE0 ss:$0x1], $0xffff  }
0x2a: {  	v3 =	vld.idx.msk [tilespmem:v0+s20+$0xFFFFFFF0 ss:$0x1], $0xffff  }
0x2b: {  	v1 =	vld.idx.msk [tilespmem:v0+s20+$0x0 ss:$0x1], $0xffff  }
0x2c: {  	v2 =	vld.idx.msk [tilespmem:v0+s20+$0x10 ss:$0x1], $0xffff;
	[tilespmem:s16+$0x30] =	vst v6  }
0x2d: {  	s19 =	simm.s32 $0x80;
	s21 =	simm.s32 $0x400;
	[tilespmem:s16+$0xFFFFFFC0] =	vst v7;
	v6 =	vld.idx.msk [tilespmem:v0+s20+$0x20 ss:$0x1], $0xffff;
	s20 =	smov.u32 s16  }
.LBB1_5:
0x2e: {  	p1 =	sne.s32 s21, $0xE00;
	v7 =	vld.idx.msk [tilespmem:v0+s19+$0x30 ss:$0x1], $0xffff;
	[tilespmem:s20+$0xFFFFFFD0] =	vst v5  }
0x2f: {  	v8 =	vld.idx.msk [tilespmem:v0+s19+$0xFFFFFFC0 ss:$0x1], $0xffff;
	[tilespmem:s20+$0xFFFFFFE0] =	vst v4  }
0x30: {  	v5 =	vld.idx.msk [tilespmem:v0+s19+$0xFFFFFFD0 ss:$0x1], $0xffff;
	[tilespmem:s20+$0xFFFFFFF0] =	vst v3  }
.Ltmp3:
0x31: {  	v4 =	vld.idx.msk [tilespmem:v0+s19+$0xFFFFFFE0 ss:$0x1], $0xffff;
	[tilespmem:s20+$0x0] =	vst v1;
	(pc) =	sbr.rel @p1 .LBB1_5-.Ltmp3, $4  }
0x32: {  	v3 =	vld.idx.msk [tilespmem:v0+s19+$0xFFFFFFF0 ss:$0x1], $0xffff;
	[tilespmem:s20+$0x10] =	vst v2  }
0x33: {  	v1 =	vld.idx.msk [tilespmem:v0+s19+$0x0 ss:$0x1], $0xffff;
	[tilespmem:s20+$0x20] =	vst v6;
	s20 =	sadd.s32 $0x400, s20  }
0x34: {  	v2 =	vld.idx.msk [tilespmem:v0+s19+$0x10 ss:$0x1], $0xffff;
	[tilespmem:s20+$0x30] =	vst v7  }
0x35: {  	[tilespmem:s20+$0xFFFFFFC0] =	vst v8;
	v6 =	vld.idx.msk [tilespmem:v0+s19+$0x20 ss:$0x1], $0xffff;
	s19 =	sshra.s32 s21, $0x2;
	s21 =	sadd.s32 $0x200, s21  }
0x36: {  	_ =	sdelay $0x2  }
0x37: {  	[tilespmem:s20+$0xFFFFFFD0] =	vst v5  }
0x38: {  	v56 =	vld.idx.msk [tilespmem:v0+s19+$0x30 ss:$0x1], $0xffff;
	[tilespmem:s20+$0xFFFFFFE0] =	vst v4  }
0x39: {  	v57 =	vld.idx.msk [tilespmem:v0+s19+$0xFFFFFFC0 ss:$0x1], $0xffff;
	[tilespmem:s20+$0xFFFFFFF0] =	vst v3  }
0x3a: {  	v58 =	vld.idx.msk [tilespmem:v0+s19+$0xFFFFFFD0 ss:$0x1], $0xffff;
	[tilespmem:s20+$0x0] =	vst v1  }
0x3b: {  	v59 =	vld.idx.msk [tilespmem:v0+s19+$0xFFFFFFE0 ss:$0x1], $0xffff;
	[tilespmem:s20+$0x10] =	vst v2  }
0x3c: {  	v60 =	vld.idx.msk [tilespmem:v0+s19+$0xFFFFFFF0 ss:$0x1], $0xffff;
	s31 =	sadd.s32 $0x400, s20;
	[tilespmem:s20+$0x20] =	vst v6  }
0x3d: {  	v61 =	vld.idx.msk [tilespmem:v0+s19+$0x0 ss:$0x1], $0xffff;
	[tilespmem:s31+$0x30] =	vst v56  }
0x3e: {  	v62 =	vld.idx.msk [tilespmem:v0+s19+$0x10 ss:$0x1], $0xffff;
	s18 =	sadd.s32 $0x1, s18;
	[tilespmem:s31+$0xFFFFFFC0] =	vst v57  }
0x3f: {  	v63 =	vld.idx.msk [tilespmem:v0+s19+$0x20 ss:$0x1], $0xffff;
	p1 =	sne.s32 s18, $0x8;
	[tilespmem:s31+$0xFFFFFFD0] =	vst v58  }
.Ltmp4:
0x40: {  	[tilespmem:s31+$0xFFFFFFE0] =	vst v59;
	(pc) =	sbr.rel @p1 .LBB1_4-.Ltmp4, $4  }
0x41: {  	[tilespmem:s31+$0xFFFFFFF0] =	vst v60  }
0x42: {  	[tilespmem:s31+$0x0] =	vst v61  }
0x43: {  	[tilespmem:s31+$0x10] =	vst v62  }
0x44: {  	s16 =	sadd.s32 $0x80, s16;
	s17 =	sadd.s32 $0x400, s17;
	[tilespmem:s31+$0x20] =	vst v63  }
.Ltmp5:
0x45: {  	(pc) =	sbr.rel @p0 .LBB1_3-.Ltmp5, $2  }
0x46: {  	_ =	sdelay $0x2  }
0x47: {  	s16 =	simm.s32 $0x2000;
	p1 =	por $0x0, $0x0  }
.Ltmp6:
0x48: {  	(pc) =	sbr.rel .LBB1_9-.Ltmp6, $4  }
0x49: {  	_ = 	snop  }
0x4a: {  	s12 =	sshll.u32 s12, $0xA  }
0x4b: {  	s12 =	sadd.s32 s4, s12  }
0x4c: {  	[hbm4b:s12+s8] =	stream.linear.scatter [tilespmem:s13], [sflag:$0x2], $0x4000, $0x38;
	[tilespmem:$0x10000] =	vst v63  }
.LBB1_10:
0x4d: {  	_ =	sfence.sel $0x180000  }
0x4e: {  	s2 =	simm.s32 $0x1;
	[bflag:$0x0] =	sbarrier.arrive $0xFFFF  }
0x4f: {  	s31 =	simm.s32 $0x2;
	[sflag:s2] =	ssyncpa.u1 $0x1  }
0x50: {  	[sflag:s31] =	ssyncpa.u1 $0x1  }
0x51: {  	p0 =	sne.s32 s0, $0x0;
	_ =	strace $0x90000047  }
0x52: {  	s0 =	sadd.s32 @!p0 $0x100000, s1;
	[bflag:$0x2] =	sbarrier.arrive $0xFFFF  }
0x53: {  	[sflag:s0] =	ssyncadd.tile.s32 @!p0 $0x1;
	_ =	shalt  }
.Lfunc_end1:
_tile_overlayer_lowered:
.L_overlay_start_2:
0x54: {  	(tag) =	ssettag $0x2  }
0x55: {  	s0 =	rddreg [dreg:$0x0];
	s2 =	stileid.u32  }
0x56: {  	s1 =	rddreg [dreg:$0x1];
	p0 =	sne.s32 s2, $0x0  }
0x57: {  	s3 =	rddreg [dreg:$0x2];
	[bflag:$0x3] =	sbarrier.arrive $0xFFFF;
	s2 =	simm.s32 @!p0 $0x1C01  }
0x58: {  	[timem:s3], [sflag:s2] =	dma.local @!p0 [hbm:s0], s1  }
0x59: {  	s0 =	simm.s32 @!p0 $0x1  }
0x5a: {  	_ =	swait.ge @!p0 [sflag:s0], s1  }
0x5b: {  	s1 =	ssub.s32 @!p0 $0x0, s1;
	[sflag:s0] =	ssyncset.done @!p0 $0x0  }
0x5c: {  	[sflag:s0] =	ssyncadd.s32 @!p0 s1  }
0x5d: {  	[bflag:$0x3] =	sbarrier.arrive $0xFFFF  }
0x5e: {  	_ =	shalt  }

</sc_bundles>
